<compile_context>
chip_gen: v7x
topology: tpu7x:2x2x1
jax: 0.10.2.dev20260603
libtpu: 0.0.44.dev20260713+nightly
codegen_flags: <defaults>
</compile_context>

<pallas_src>
import functools

import jax
import jax.numpy as jnp
from jax import lax
from jax.experimental import pallas as pl
from jax.experimental.pallas import tpu as pltpu
from jax.experimental.pallas import tpu_sc as plsc


@functools.lru_cache(maxsize=None)
def _make_gather(n_tab, d, h, w, resolution):
    info = plsc.get_sparse_core_info()
    nc, ns = info.num_cores, info.num_subcores
    nw = nc * ns
    n_sp = h * w
    n_out = n_sp + 1

    br = max(b for b in range(1, w + 1) if w % b == 0 and (n_sp // b) % nw == 0)
    bpw = n_sp // br // nw
    bpr = w // br

    mesh = plsc.VectorSubcoreMesh(core_axis_name="c", subcore_axis_name="s")

    @functools.partial(
        pl.kernel,
        mesh=mesh,
        out_type=jax.ShapeDtypeStruct((n_out, d), jnp.float32),
        scratch_types=[
            pltpu.VMEM((bpw, br, d), jnp.float32),
            pltpu.VMEM((1, d), jnp.float32),
            pltpu.SemaphoreType.DMA((bpw,)),
            pltpu.SemaphoreType.DMA((bpw,)),
            pltpu.SemaphoreType.DMA,
        ],
        compiler_params=pltpu.CompilerParams(use_tc_tiling_on_sc=False),
    )
    def gather_kernel(table_hbm, out_hbm, bufs, cls_v, gsem, ssem, csem):
        wid = lax.axis_index("s") * nc + lax.axis_index("c")

        gathers = []
        for b in range(bpw):
            blk = wid * bpw + b
            src = (blk // bpr) * resolution + (blk % bpr) * br + 1
            cp = pltpu.make_async_copy(
                table_hbm.at[pl.ds(src, br)], bufs.at[b], gsem.at[b]
            )
            cp.start()
            gathers.append(cp)

        @pl.when(wid == 0)
        def _start_cls():
            pltpu.make_async_copy(table_hbm.at[pl.ds(0, 1)], cls_v, csem).start()

        scatters = []
        for b in range(bpw):
            blk = wid * bpw + b
            gathers[b].wait()
            cp = pltpu.make_async_copy(
                bufs.at[b], out_hbm.at[pl.ds(blk * br + 1, br)], ssem.at[b]
            )
            cp.start()
            scatters.append(cp)

        @pl.when(wid == 0)
        def _finish_cls():
            pltpu.make_async_copy(table_hbm.at[pl.ds(0, 1)], cls_v, csem).wait()
            pltpu.sync_copy(cls_v, out_hbm.at[pl.ds(0, 1)])

        for cp in scatters:
            cp.wait()

    def run(vpe):
        return gather_kernel(vpe)

    return run


def kernel(x, vpe):
    resolution = round((vpe.shape[0] - 1) ** 0.5)
    assert resolution * resolution + 1 == vpe.shape[0]
    _, _, h, w = x.shape
    return _make_gather(vpe.shape[0], vpe.shape[1], h, w, resolution)(vpe)

# --- scband reference (transcript-rebuilt; emitter-appended) ---
"""Pipeline reference for scband-vpe-forward-pre-hook-19885698580523 (READ-ONLY COPY).

The authoritative reference and input builder live on the scoring server;
editing this copy changes nothing except your own understanding.
"""

import jax, jax.numpy as jnp
import numpy as np


def setup_inputs(seed: int = 0) -> dict:
    key = jax.random.key(seed)
    k1, k2 = jax.random.split(key)
    resolution = 32
    d = 1024
    # learned variable positional embedding table: [resolution**2 + 1, d]
    vpe = jax.random.normal(k1, (resolution * resolution + 1, d), dtype=jnp.float32) * 0.02
    # feature map input to AttentionPool2d: [B, C, h, w]; only h, w are consumed
    x = jax.random.normal(k2, (16, 1024, 24, 24), dtype=jnp.float32)
    return {"x": x, "vpe": vpe}


def reference(x, vpe):
    # resolution inferred exactly as in the torch module
    resolution = round((vpe.shape[0] - 1) ** 0.5)
    assert resolution ** 2 + 1 == vpe.shape[0]
    _, _, h, w = x.shape
    # vpi: (h w) index grid cropped from full resolution grid
    vpi = jnp.arange(resolution * resolution, dtype=jnp.int64 if jax.config.jax_enable_x64 else jnp.int32)
    vpi = vpi.reshape(resolution, resolution)
    vpi = vpi[:h, :w].reshape(-1)
    # prepend CLS position (index 0), shift spatial indices by +1
    vpi = jnp.concatenate([jnp.zeros((1,), dtype=vpi.dtype), vpi + 1])
    # gather rows of the positional embedding table -> new positional_embedding
    pos_emb = jnp.take(vpe, vpi, axis=0)
    return pos_emb

if __name__ == "__main__":
    import jax
    _d = setup_inputs()
    print(jax.jit(kernel)(*tuple(_d.values())))

</pallas_src>

<mosaic_0001>
#map = affine_map<(d0, d1) -> (0, 0)>
module attributes {stable_mosaic.version = 14 : i64} {
  func.func @gather_kernel(%arg0: i32, %arg1: i32, %arg2: memref<1025x1024xf32, #tpu.memory_space<hbm>>, %arg3: memref<577x1024xf32, #tpu.memory_space<hbm>>, %arg4: memref<3x6x1024xf32, #tpu.memory_space<vmem>>, %arg5: memref<1x1024xf32, #tpu.memory_space<vmem>>, %arg6: memref<3x!tpu.dma_semaphore, #tpu.memory_space<semaphore_mem>>, %arg7: memref<3x!tpu.dma_semaphore, #tpu.memory_space<semaphore_mem>>, %arg8: memref<!tpu.dma_semaphore, #tpu.memory_space<semaphore_mem>>) attributes {dimension_semantics = [#tpu.dimension_semantics<core_parallel>, #tpu.dimension_semantics<subcore_parallel>], iteration_bounds = array<i64: 2, 16>, scalar_prefetch = 0 : i64, scratch_operands = 5 : i64, tpu.core_type = #tpu.core_type<sc_vector_subcore>, window_params = [{transform_indices = #map}, {transform_indices = #map}]} {
    %mul3A = arith.constant 2 : i32
    %mul3A_0 = arith.muli %arg1, %mul3A : i32
    %add3A = arith.addi %mul3A_0, %arg0 : i32
    %mul3A_1 = arith.constant 3 : i32
    %mul3A_2 = arith.muli %add3A, %mul3A_1 : i32
    %add3A_3 = arith.constant 0 : i32
    %add3A_4 = arith.addi %mul3A_2, %add3A_3 : i32
    %jit3A = arith.constant 4 : i32
    %div3A = arith.divsi %add3A_4, %jit3A : i32
    %sign3A = arith.constant 0 : i32
    %sign3A_5 = arith.cmpi sgt, %add3A_4, %sign3A : i32
    %sign3A_6 = arith.extui %sign3A_5 : i1 to i32
    %sign3A_7 = arith.constant 0 : i32
    %sign3A_8 = arith.cmpi slt, %add3A_4, %sign3A_7 : i32
    %sign3A_9 = arith.extui %sign3A_8 : i1 to i32
    %sign3A_10 = arith.subi %sign3A_6, %sign3A_9 : i32
    %sign3A_11 = arith.constant 0 : i32
    %sign3A_12 = arith.cmpi sgt, %jit3A, %sign3A_11 : i32
    %sign3A_13 = arith.extui %sign3A_12 : i1 to i32
    %sign3A_14 = arith.constant 0 : i32
    %sign3A_15 = arith.cmpi slt, %jit3A, %sign3A_14 : i32
    %sign3A_16 = arith.extui %sign3A_15 : i1 to i32
    %sign3A_17 = arith.subi %sign3A_13, %sign3A_16 : i32
    %ne3A = arith.cmpi ne, %sign3A_10, %sign3A_17 : i32
    %rem3A = arith.remsi %add3A_4, %jit3A : i32
    %ne3A_18 = arith.constant 0 : i32
    %ne3A_19 = arith.cmpi ne, %rem3A, %ne3A_18 : i32
    %and3A = arith.andi %ne3A, %ne3A_19 : i1
    %sub3A = arith.constant 1 : i32
    %sub3A_20 = arith.subi %div3A, %sub3A : i32
    %select_n3A = arith.select %and3A, %sub3A_20, %div3A : i32
    %mul3A_21 = arith.constant 32 : i32
    %mul3A_22 = arith.muli %select_n3A, %mul3A_21 : i32
    %jit3A_23 = arith.constant 4 : i32
    %eq3A = arith.constant 0 : i32
    %eq3A_24 = arith.cmpi eq, %jit3A_23, %eq3A : i32
    %jit3A_25 = arith.constant 1 : i32
    %select_n3A_26 = arith.select %eq3A_24, %jit3A_25, %jit3A_23 : i32
    %rem3A_27 = arith.remsi %add3A_4, %select_n3A_26 : i32
    %ne3A_28 = arith.constant 0 : i32
    %ne3A_29 = arith.cmpi ne, %rem3A_27, %ne3A_28 : i32
    %lt3A = arith.constant 0 : i32
    %lt3A_30 = arith.cmpi slt, %rem3A_27, %lt3A : i32
    %lt3A_31 = arith.constant 0 : i32
    %lt3A_32 = arith.cmpi slt, %select_n3A_26, %lt3A_31 : i32
    %ne3A_33 = arith.xori %lt3A_30, %lt3A_32 : i1
    %and3A_34 = arith.andi %ne3A_33, %ne3A_29 : i1
    %add3A_35 = arith.addi %rem3A_27, %select_n3A_26 : i32
    %select_n3A_36 = arith.select %and3A_34, %add3A_35, %rem3A_27 : i32
    %mul3A_37 = arith.constant 6 : i32
    %mul3A_38 = arith.muli %select_n3A_36, %mul3A_37 : i32
    %add3A_39 = arith.addi %mul3A_22, %mul3A_38 : i32
    %add3A_40 = arith.constant 1 : i32
    %add3A_41 = arith.addi %add3A_39, %add3A_40 : i32
    %dma_start3A = arith.constant 0 : i32
    %dma_start3A_42 = arith.constant 0 : i32
    %dma_start3A_43 = arith.constant 0 : i32
    %dma_start3A_44 = arith.constant 0 : i32
    %dma_start3A_45 = tpu.memref_slice %arg4[%dma_start3A, %dma_start3A_43, %dma_start3A_44] : memref<3x6x1024xf32, #tpu.memory_space<vmem>> -> memref<1x6x1024xf32, #tpu.memory_space<vmem>>
    %dma_start3A_46 = tpu.memref_squeeze %dma_start3A_45 : memref<1x6x1024xf32, #tpu.memory_space<vmem>> -> memref<6x1024xf32, #tpu.memory_space<vmem>>
    %dma_start3A_47 = arith.constant 0 : i32
    %dma_start3A_48 = tpu.memref_slice %arg2[%add3A_41, %dma_start3A_47] : memref<1025x1024xf32, #tpu.memory_space<hbm>> -> memref<6x1024xf32, #tpu.memory_space<hbm>>
    %dma_start3A_49 = tpu.memref_slice %arg6[%dma_start3A_42] : memref<3x!tpu.dma_semaphore, #tpu.memory_space<semaphore_mem>> -> memref<1x!tpu.dma_semaphore, #tpu.memory_space<semaphore_mem>>
    %dma_start3A_50 = tpu.memref_squeeze %dma_start3A_49 : memref<1x!tpu.dma_semaphore, #tpu.memory_space<semaphore_mem>> -> memref<!tpu.dma_semaphore, #tpu.memory_space<semaphore_mem>>
    %dma_start3A_51 = arith.constant 0 : i32
    %dma_start3A_52 = arith.constant 0 : i32
    %dma_start3A_53 = tpu.memref_slice %arg4[%dma_start3A, %dma_start3A_51, %dma_start3A_52] : memref<3x6x1024xf32, #tpu.memory_space<vmem>> -> memref<1x6x1024xf32, #tpu.memory_space<vmem>>
    %dma_start3A_54 = tpu.memref_squeeze %dma_start3A_53 : memref<1x6x1024xf32, #tpu.memory_space<vmem>> -> memref<6x1024xf32, #tpu.memory_space<vmem>>
    %dma_start3A_55 = arith.constant 0 : i32
    %dma_start3A_56 = tpu.memref_slice %arg2[%add3A_41, %dma_start3A_55] : memref<1025x1024xf32, #tpu.memory_space<hbm>> -> memref<6x1024xf32, #tpu.memory_space<hbm>>
    tpu.enqueue_dma source(%dma_start3A_56 : memref<6x1024xf32, #tpu.memory_space<hbm>>) target(%dma_start3A_54 : memref<6x1024xf32, #tpu.memory_space<vmem>>) target_semaphore(%dma_start3A_50 : memref<!tpu.dma_semaphore, #tpu.memory_space<semaphore_mem>>)
    %mul3A_57 = arith.constant 3 : i32
    %mul3A_58 = arith.muli %add3A, %mul3A_57 : i32
    %add3A_59 = arith.constant 1 : i32
    %add3A_60 = arith.addi %mul3A_58, %add3A_59 : i32
    %jit3A_61 = arith.constant 4 : i32
    %div3A_62 = arith.divsi %add3A_60, %jit3A_61 : i32
    %sign3A_63 = arith.constant 0 : i32
    %sign3A_64 = arith.cmpi sgt, %add3A_60, %sign3A_63 : i32
    %sign3A_65 = arith.extui %sign3A_64 : i1 to i32
    %sign3A_66 = arith.constant 0 : i32
    %sign3A_67 = arith.cmpi slt, %add3A_60, %sign3A_66 : i32
    %sign3A_68 = arith.extui %sign3A_67 : i1 to i32
    %sign3A_69 = arith.subi %sign3A_65, %sign3A_68 : i32
    %sign3A_70 = arith.constant 0 : i32
    %sign3A_71 = arith.cmpi sgt, %jit3A_61, %sign3A_70 : i32
    %sign3A_72 = arith.extui %sign3A_71 : i1 to i32
    %sign3A_73 = arith.constant 0 : i32
    %sign3A_74 = arith.cmpi slt, %jit3A_61, %sign3A_73 : i32
    %sign3A_75 = arith.extui %sign3A_74 : i1 to i32
    %sign3A_76 = arith.subi %sign3A_72, %sign3A_75 : i32
    %ne3A_77 = arith.cmpi ne, %sign3A_69, %sign3A_76 : i32
    %rem3A_78 = arith.remsi %add3A_60, %jit3A_61 : i32
    %ne3A_79 = arith.constant 0 : i32
    %ne3A_80 = arith.cmpi ne, %rem3A_78, %ne3A_79 : i32
    %and3A_81 = arith.andi %ne3A_77, %ne3A_80 : i1
    %sub3A_82 = arith.constant 1 : i32
    %sub3A_83 = arith.subi %div3A_62, %sub3A_82 : i32
    %select_n3A_84 = arith.select %and3A_81, %sub3A_83, %div3A_62 : i32
    %mul3A_85 = arith.constant 32 : i32
    %mul3A_86 = arith.muli %select_n3A_84, %mul3A_85 : i32
    %jit3A_87 = arith.constant 4 : i32
    %eq3A_88 = arith.constant 0 : i32
    %eq3A_89 = arith.cmpi eq, %jit3A_87, %eq3A_88 : i32
    %jit3A_90 = arith.constant 1 : i32
    %select_n3A_91 = arith.select %eq3A_89, %jit3A_90, %jit3A_87 : i32
    %rem3A_92 = arith.remsi %add3A_60, %select_n3A_91 : i32
    %ne3A_93 = arith.constant 0 : i32
    %ne3A_94 = arith.cmpi ne, %rem3A_92, %ne3A_93 : i32
    %lt3A_95 = arith.constant 0 : i32
    %lt3A_96 = arith.cmpi slt, %rem3A_92, %lt3A_95 : i32
    %lt3A_97 = arith.constant 0 : i32
    %lt3A_98 = arith.cmpi slt, %select_n3A_91, %lt3A_97 : i32
    %ne3A_99 = arith.xori %lt3A_96, %lt3A_98 : i1
    %and3A_100 = arith.andi %ne3A_99, %ne3A_94 : i1
    %add3A_101 = arith.addi %rem3A_92, %select_n3A_91 : i32
    %select_n3A_102 = arith.select %and3A_100, %add3A_101, %rem3A_92 : i32
    %mul3A_103 = arith.constant 6 : i32
    %mul3A_104 = arith.muli %select_n3A_102, %mul3A_103 : i32
    %add3A_105 = arith.addi %mul3A_86, %mul3A_104 : i32
    %add3A_106 = arith.constant 1 : i32
    %add3A_107 = arith.addi %add3A_105, %add3A_106 : i32
    %dma_start3A_108 = arith.constant 1 : i32
    %dma_start3A_109 = arith.constant 1 : i32
    %dma_start3A_110 = arith.constant 0 : i32
    %dma_start3A_111 = arith.constant 0 : i32
    %dma_start3A_112 = tpu.memref_slice %arg4[%dma_start3A_108, %dma_start3A_110, %dma_start3A_111] : memref<3x6x1024xf32, #tpu.memory_space<vmem>> -> memref<1x6x1024xf32, #tpu.memory_space<vmem>>
    %dma_start3A_113 = tpu.memref_squeeze %dma_start3A_112 : memref<1x6x1024xf32, #tpu.memory_space<vmem>> -> memref<6x1024xf32, #tpu.memory_space<vmem>>
    %dma_start3A_114 = arith.constant 0 : i32
    %dma_start3A_115 = tpu.memref_slice %arg2[%add3A_107, %dma_start3A_114] : memref<1025x1024xf32, #tpu.memory_space<hbm>> -> memref<6x1024xf32, #tpu.memory_space<hbm>>
    %dma_start3A_116 = tpu.memref_slice %arg6[%dma_start3A_109] : memref<3x!tpu.dma_semaphore, #tpu.memory_space<semaphore_mem>> -> memref<1x!tpu.dma_semaphore, #tpu.memory_space<semaphore_mem>>
    %dma_start3A_117 = tpu.memref_squeeze %dma_start3A_116 : memref<1x!tpu.dma_semaphore, #tpu.memory_space<semaphore_mem>> -> memref<!tpu.dma_semaphore, #tpu.memory_space<semaphore_mem>>
    %dma_start3A_118 = arith.constant 0 : i32
    %dma_start3A_119 = arith.constant 0 : i32
    %dma_start3A_120 = tpu.memref_slice %arg4[%dma_start3A_108, %dma_start3A_118, %dma_start3A_119] : memref<3x6x1024xf32, #tpu.memory_space<vmem>> -> memref<1x6x1024xf32, #tpu.memory_space<vmem>>
    %dma_start3A_121 = tpu.memref_squeeze %dma_start3A_120 : memref<1x6x1024xf32, #tpu.memory_space<vmem>> -> memref<6x1024xf32, #tpu.memory_space<vmem>>
    %dma_start3A_122 = arith.constant 0 : i32
    %dma_start3A_123 = tpu.memref_slice %arg2[%add3A_107, %dma_start3A_122] : memref<1025x1024xf32, #tpu.memory_space<hbm>> -> memref<6x1024xf32, #tpu.memory_space<hbm>>
    tpu.enqueue_dma source(%dma_start3A_123 : memref<6x1024xf32, #tpu.memory_space<hbm>>) target(%dma_start3A_121 : memref<6x1024xf32, #tpu.memory_space<vmem>>) target_semaphore(%dma_start3A_117 : memref<!tpu.dma_semaphore, #tpu.memory_space<semaphore_mem>>)
    %mul3A_124 = arith.constant 3 : i32
    %mul3A_125 = arith.muli %add3A, %mul3A_124 : i32
    %add3A_126 = arith.constant 2 : i32
    %add3A_127 = arith.addi %mul3A_125, %add3A_126 : i32
    %jit3A_128 = arith.constant 4 : i32
    %div3A_129 = arith.divsi %add3A_127, %jit3A_128 : i32
    %sign3A_130 = arith.constant 0 : i32
    %sign3A_131 = arith.cmpi sgt, %add3A_127, %sign3A_130 : i32
    %sign3A_132 = arith.extui %sign3A_131 : i1 to i32
    %sign3A_133 = arith.constant 0 : i32
    %sign3A_134 = arith.cmpi slt, %add3A_127, %sign3A_133 : i32
    %sign3A_135 = arith.extui %sign3A_134 : i1 to i32
    %sign3A_136 = arith.subi %sign3A_132, %sign3A_135 : i32
    %sign3A_137 = arith.constant 0 : i32
    %sign3A_138 = arith.cmpi sgt, %jit3A_128, %sign3A_137 : i32
    %sign3A_139 = arith.extui %sign3A_138 : i1 to i32
    %sign3A_140 = arith.constant 0 : i32
    %sign3A_141 = arith.cmpi slt, %jit3A_128, %sign3A_140 : i32
    %sign3A_142 = arith.extui %sign3A_141 : i1 to i32
    %sign3A_143 = arith.subi %sign3A_139, %sign3A_142 : i32
    %ne3A_144 = arith.cmpi ne, %sign3A_136, %sign3A_143 : i32
    %rem3A_145 = arith.remsi %add3A_127, %jit3A_128 : i32
    %ne3A_146 = arith.constant 0 : i32
    %ne3A_147 = arith.cmpi ne, %rem3A_145, %ne3A_146 : i32
    %and3A_148 = arith.andi %ne3A_144, %ne3A_147 : i1
    %sub3A_149 = arith.constant 1 : i32
    %sub3A_150 = arith.subi %div3A_129, %sub3A_149 : i32
    %select_n3A_151 = arith.select %and3A_148, %sub3A_150, %div3A_129 : i32
    %mul3A_152 = arith.constant 32 : i32
    %mul3A_153 = arith.muli %select_n3A_151, %mul3A_152 : i32
    %jit3A_154 = arith.constant 4 : i32
    %eq3A_155 = arith.constant 0 : i32
    %eq3A_156 = arith.cmpi eq, %jit3A_154, %eq3A_155 : i32
    %jit3A_157 = arith.constant 1 : i32
    %select_n3A_158 = arith.select %eq3A_156, %jit3A_157, %jit3A_154 : i32
    %rem3A_159 = arith.remsi %add3A_127, %select_n3A_158 : i32
    %ne3A_160 = arith.constant 0 : i32
    %ne3A_161 = arith.cmpi ne, %rem3A_159, %ne3A_160 : i32
    %lt3A_162 = arith.constant 0 : i32
    %lt3A_163 = arith.cmpi slt, %rem3A_159, %lt3A_162 : i32
    %lt3A_164 = arith.constant 0 : i32
    %lt3A_165 = arith.cmpi slt, %select_n3A_158, %lt3A_164 : i32
    %ne3A_166 = arith.xori %lt3A_163, %lt3A_165 : i1
    %and3A_167 = arith.andi %ne3A_166, %ne3A_161 : i1
    %add3A_168 = arith.addi %rem3A_159, %select_n3A_158 : i32
    %select_n3A_169 = arith.select %and3A_167, %add3A_168, %rem3A_159 : i32
    %mul3A_170 = arith.constant 6 : i32
    %mul3A_171 = arith.muli %select_n3A_169, %mul3A_170 : i32
    %add3A_172 = arith.addi %mul3A_153, %mul3A_171 : i32
    %add3A_173 = arith.constant 1 : i32
    %add3A_174 = arith.addi %add3A_172, %add3A_173 : i32
    %dma_start3A_175 = arith.constant 2 : i32
    %dma_start3A_176 = arith.constant 2 : i32
    %dma_start3A_177 = arith.constant 0 : i32
    %dma_start3A_178 = arith.constant 0 : i32
    %dma_start3A_179 = tpu.memref_slice %arg4[%dma_start3A_175, %dma_start3A_177, %dma_start3A_178] : memref<3x6x1024xf32, #tpu.memory_space<vmem>> -> memref<1x6x1024xf32, #tpu.memory_space<vmem>>
    %dma_start3A_180 = tpu.memref_squeeze %dma_start3A_179 : memref<1x6x1024xf32, #tpu.memory_space<vmem>> -> memref<6x1024xf32, #tpu.memory_space<vmem>>
    %dma_start3A_181 = arith.constant 0 : i32
    %dma_start3A_182 = tpu.memref_slice %arg2[%add3A_174, %dma_start3A_181] : memref<1025x1024xf32, #tpu.memory_space<hbm>> -> memref<6x1024xf32, #tpu.memory_space<hbm>>
    %dma_start3A_183 = tpu.memref_slice %arg6[%dma_start3A_176] : memref<3x!tpu.dma_semaphore, #tpu.memory_space<semaphore_mem>> -> memref<1x!tpu.dma_semaphore, #tpu.memory_space<semaphore_mem>>
    %dma_start3A_184 = tpu.memref_squeeze %dma_start3A_183 : memref<1x!tpu.dma_semaphore, #tpu.memory_space<semaphore_mem>> -> memref<!tpu.dma_semaphore, #tpu.memory_space<semaphore_mem>>
    %dma_start3A_185 = arith.constant 0 : i32
    %dma_start3A_186 = arith.constant 0 : i32
    %dma_start3A_187 = tpu.memref_slice %arg4[%dma_start3A_175, %dma_start3A_185, %dma_start3A_186] : memref<3x6x1024xf32, #tpu.memory_space<vmem>> -> memref<1x6x1024xf32, #tpu.memory_space<vmem>>
    %dma_start3A_188 = tpu.memref_squeeze %dma_start3A_187 : memref<1x6x1024xf32, #tpu.memory_space<vmem>> -> memref<6x1024xf32, #tpu.memory_space<vmem>>
    %dma_start3A_189 = arith.constant 0 : i32
    %dma_start3A_190 = tpu.memref_slice %arg2[%add3A_174, %dma_start3A_189] : memref<1025x1024xf32, #tpu.memory_space<hbm>> -> memref<6x1024xf32, #tpu.memory_space<hbm>>
    tpu.enqueue_dma source(%dma_start3A_190 : memref<6x1024xf32, #tpu.memory_space<hbm>>) target(%dma_start3A_188 : memref<6x1024xf32, #tpu.memory_space<vmem>>) target_semaphore(%dma_start3A_184 : memref<!tpu.dma_semaphore, #tpu.memory_space<semaphore_mem>>)
    %eq3A_191 = arith.constant 0 : i32
    %eq3A_192 = arith.cmpi eq, %add3A, %eq3A_191 : i32
    %convert_element_type3A = arith.extui %eq3A_192 : i1 to i32
    %cond3A = arith.constant 0 : i32
    %cond3A_193 = arith.cmpi ne, %convert_element_type3A, %cond3A : i32
    scf.if %cond3A_193 {
      %dma_start3A_366 = arith.constant 0 : i32
      %dma_start3A_367 = arith.constant 0 : i32
      %dma_start3A_368 = tpu.memref_slice %arg2[%dma_start3A_366, %dma_start3A_367] : memref<1025x1024xf32, #tpu.memory_space<hbm>> -> memref<1x1024xf32, #tpu.memory_space<hbm>>
      %dma_start3A_369 = arith.constant 0 : i32
      %dma_start3A_370 = arith.constant 0 : i32
      %dma_start3A_371 = tpu.memref_slice %arg2[%dma_start3A_369, %dma_start3A_370] : memref<1025x1024xf32, #tpu.memory_space<hbm>> -> memref<1x1024xf32, #tpu.memory_space<hbm>>
      tpu.enqueue_dma source(%dma_start3A_371 : memref<1x1024xf32, #tpu.memory_space<hbm>>) target(%arg5 : memref<1x1024xf32, #tpu.memory_space<vmem>>) target_semaphore(%arg8 : memref<!tpu.dma_semaphore, #tpu.memory_space<semaphore_mem>>)
    } else {
    }
    %mul3A_194 = arith.constant 3 : i32
    %mul3A_195 = arith.muli %add3A, %mul3A_194 : i32
    %add3A_196 = arith.constant 0 : i32
    %add3A_197 = arith.addi %mul3A_195, %add3A_196 : i32
    %dma_wait3A = arith.constant 0 : i32
    %dma_wait3A_198 = arith.constant 0 : i32
    %dma_wait3A_199 = arith.constant 0 : i32
    %dma_wait3A_200 = arith.constant 0 : i32
    %dma_wait3A_201 = tpu.memref_slice %arg4[%dma_wait3A, %dma_wait3A_199, %dma_wait3A_200] : memref<3x6x1024xf32, #tpu.memory_space<vmem>> -> memref<1x6x1024xf32, #tpu.memory_space<vmem>>
    %dma_wait3A_202 = tpu.memref_squeeze %dma_wait3A_201 : memref<1x6x1024xf32, #tpu.memory_space<vmem>> -> memref<6x1024xf32, #tpu.memory_space<vmem>>
    %dma_wait3A_203 = arith.constant 0 : i32
    %dma_wait3A_204 = tpu.memref_slice %arg2[%add3A_41, %dma_wait3A_203] : memref<1025x1024xf32, #tpu.memory_space<hbm>> -> memref<6x1024xf32, #tpu.memory_space<hbm>>
    %dma_wait3A_205 = tpu.memref_slice %arg6[%dma_wait3A_198] : memref<3x!tpu.dma_semaphore, #tpu.memory_space<semaphore_mem>> -> memref<1x!tpu.dma_semaphore, #tpu.memory_space<semaphore_mem>>
    %dma_wait3A_206 = tpu.memref_squeeze %dma_wait3A_205 : memref<1x!tpu.dma_semaphore, #tpu.memory_space<semaphore_mem>> -> memref<!tpu.dma_semaphore, #tpu.memory_space<semaphore_mem>>
    %dma_wait3A_207 = arith.constant 0 : i32
    %dma_wait3A_208 = arith.constant 0 : i32
    %dma_wait3A_209 = tpu.memref_slice %arg4[%dma_wait3A, %dma_wait3A_207, %dma_wait3A_208] : memref<3x6x1024xf32, #tpu.memory_space<vmem>> -> memref<1x6x1024xf32, #tpu.memory_space<vmem>>
    %dma_wait3A_210 = tpu.memref_squeeze %dma_wait3A_209 : memref<1x6x1024xf32, #tpu.memory_space<vmem>> -> memref<6x1024xf32, #tpu.memory_space<vmem>>
    %dma_wait3A_211 = arith.constant 0 : i32
    %dma_wait3A_212 = tpu.memref_slice %arg2[%add3A_41, %dma_wait3A_211] : memref<1025x1024xf32, #tpu.memory_space<hbm>> -> memref<6x1024xf32, #tpu.memory_space<hbm>>
    tpu.wait_dma2 semaphore(%dma_wait3A_206 : memref<!tpu.dma_semaphore, #tpu.memory_space<semaphore_mem>>) src(%dma_wait3A_212 : memref<6x1024xf32, #tpu.memory_space<hbm>>) dst(%dma_wait3A_210 : memref<6x1024xf32, #tpu.memory_space<vmem>>)
    %mul3A_213 = arith.constant 6 : i32
    %mul3A_214 = arith.muli %add3A_197, %mul3A_213 : i32
    %add3A_215 = arith.constant 1 : i32
    %add3A_216 = arith.addi %mul3A_214, %add3A_215 : i32
    %dma_start3A_217 = arith.constant 0 : i32
    %dma_start3A_218 = arith.constant 0 : i32
    %dma_start3A_219 = arith.constant 0 : i32
    %dma_start3A_220 = arith.constant 0 : i32
    %dma_start3A_221 = tpu.memref_slice %arg4[%dma_start3A_217, %dma_start3A_219, %dma_start3A_220] : memref<3x6x1024xf32, #tpu.memory_space<vmem>> -> memref<1x6x1024xf32, #tpu.memory_space<vmem>>
    %dma_start3A_222 = tpu.memref_squeeze %dma_start3A_221 : memref<1x6x1024xf32, #tpu.memory_space<vmem>> -> memref<6x1024xf32, #tpu.memory_space<vmem>>
    %dma_start3A_223 = arith.constant 0 : i32
    %dma_start3A_224 = tpu.memref_slice %arg3[%add3A_216, %dma_start3A_223] : memref<577x1024xf32, #tpu.memory_space<hbm>> -> memref<6x1024xf32, #tpu.memory_space<hbm>>
    %dma_start3A_225 = tpu.memref_slice %arg7[%dma_start3A_218] : memref<3x!tpu.dma_semaphore, #tpu.memory_space<semaphore_mem>> -> memref<1x!tpu.dma_semaphore, #tpu.memory_space<semaphore_mem>>
    %dma_start3A_226 = tpu.memref_squeeze %dma_start3A_225 : memref<1x!tpu.dma_semaphore, #tpu.memory_space<semaphore_mem>> -> memref<!tpu.dma_semaphore, #tpu.memory_space<semaphore_mem>>
    %dma_start3A_227 = arith.constant 0 : i32
    %dma_start3A_228 = tpu.memref_slice %arg3[%add3A_216, %dma_start3A_227] : memref<577x1024xf32, #tpu.memory_space<hbm>> -> memref<6x1024xf32, #tpu.memory_space<hbm>>
    %dma_start3A_229 = arith.constant 0 : i32
    %dma_start3A_230 = arith.constant 0 : i32
    %dma_start3A_231 = tpu.memref_slice %arg4[%dma_start3A_217, %dma_start3A_229, %dma_start3A_230] : memref<3x6x1024xf32, #tpu.memory_space<vmem>> -> memref<1x6x1024xf32, #tpu.memory_space<vmem>>
    %dma_start3A_232 = tpu.memref_squeeze %dma_start3A_231 : memref<1x6x1024xf32, #tpu.memory_space<vmem>> -> memref<6x1024xf32, #tpu.memory_space<vmem>>
    tpu.enqueue_dma source(%dma_start3A_232 : memref<6x1024xf32, #tpu.memory_space<vmem>>) target(%dma_start3A_228 : memref<6x1024xf32, #tpu.memory_space<hbm>>) target_semaphore(%dma_start3A_226 : memref<!tpu.dma_semaphore, #tpu.memory_space<semaphore_mem>>)
    %mul3A_233 = arith.constant 3 : i32
    %mul3A_234 = arith.muli %add3A, %mul3A_233 : i32
    %add3A_235 = arith.constant 1 : i32
    %add3A_236 = arith.addi %mul3A_234, %add3A_235 : i32
    %dma_wait3A_237 = arith.constant 1 : i32
    %dma_wait3A_238 = arith.constant 1 : i32
    %dma_wait3A_239 = arith.constant 0 : i32
    %dma_wait3A_240 = arith.constant 0 : i32
    %dma_wait3A_241 = tpu.memref_slice %arg4[%dma_wait3A_237, %dma_wait3A_239, %dma_wait3A_240] : memref<3x6x1024xf32, #tpu.memory_space<vmem>> -> memref<1x6x1024xf32, #tpu.memory_space<vmem>>
    %dma_wait3A_242 = tpu.memref_squeeze %dma_wait3A_241 : memref<1x6x1024xf32, #tpu.memory_space<vmem>> -> memref<6x1024xf32, #tpu.memory_space<vmem>>
    %dma_wait3A_243 = arith.constant 0 : i32
    %dma_wait3A_244 = tpu.memref_slice %arg2[%add3A_107, %dma_wait3A_243] : memref<1025x1024xf32, #tpu.memory_space<hbm>> -> memref<6x1024xf32, #tpu.memory_space<hbm>>
    %dma_wait3A_245 = tpu.memref_slice %arg6[%dma_wait3A_238] : memref<3x!tpu.dma_semaphore, #tpu.memory_space<semaphore_mem>> -> memref<1x!tpu.dma_semaphore, #tpu.memory_space<semaphore_mem>>
    %dma_wait3A_246 = tpu.memref_squeeze %dma_wait3A_245 : memref<1x!tpu.dma_semaphore, #tpu.memory_space<semaphore_mem>> -> memref<!tpu.dma_semaphore, #tpu.memory_space<semaphore_mem>>
    %dma_wait3A_247 = arith.constant 0 : i32
    %dma_wait3A_248 = arith.constant 0 : i32
    %dma_wait3A_249 = tpu.memref_slice %arg4[%dma_wait3A_237, %dma_wait3A_247, %dma_wait3A_248] : memref<3x6x1024xf32, #tpu.memory_space<vmem>> -> memref<1x6x1024xf32, #tpu.memory_space<vmem>>
    %dma_wait3A_250 = tpu.memref_squeeze %dma_wait3A_249 : memref<1x6x1024xf32, #tpu.memory_space<vmem>> -> memref<6x1024xf32, #tpu.memory_space<vmem>>
    %dma_wait3A_251 = arith.constant 0 : i32
    %dma_wait3A_252 = tpu.memref_slice %arg2[%add3A_107, %dma_wait3A_251] : memref<1025x1024xf32, #tpu.memory_space<hbm>> -> memref<6x1024xf32, #tpu.memory_space<hbm>>
    tpu.wait_dma2 semaphore(%dma_wait3A_246 : memref<!tpu.dma_semaphore, #tpu.memory_space<semaphore_mem>>) src(%dma_wait3A_252 : memref<6x1024xf32, #tpu.memory_space<hbm>>) dst(%dma_wait3A_250 : memref<6x1024xf32, #tpu.memory_space<vmem>>)
    %mul3A_253 = arith.constant 6 : i32
    %mul3A_254 = arith.muli %add3A_236, %mul3A_253 : i32
    %add3A_255 = arith.constant 1 : i32
    %add3A_256 = arith.addi %mul3A_254, %add3A_255 : i32
    %dma_start3A_257 = arith.constant 1 : i32
    %dma_start3A_258 = arith.constant 1 : i32
    %dma_start3A_259 = arith.constant 0 : i32
    %dma_start3A_260 = arith.constant 0 : i32
    %dma_start3A_261 = tpu.memref_slice %arg4[%dma_start3A_257, %dma_start3A_259, %dma_start3A_260] : memref<3x6x1024xf32, #tpu.memory_space<vmem>> -> memref<1x6x1024xf32, #tpu.memory_space<vmem>>
    %dma_start3A_262 = tpu.memref_squeeze %dma_start3A_261 : memref<1x6x1024xf32, #tpu.memory_space<vmem>> -> memref<6x1024xf32, #tpu.memory_space<vmem>>
    %dma_start3A_263 = arith.constant 0 : i32
    %dma_start3A_264 = tpu.memref_slice %arg3[%add3A_256, %dma_start3A_263] : memref<577x1024xf32, #tpu.memory_space<hbm>> -> memref<6x1024xf32, #tpu.memory_space<hbm>>
    %dma_start3A_265 = tpu.memref_slice %arg7[%dma_start3A_258] : memref<3x!tpu.dma_semaphore, #tpu.memory_space<semaphore_mem>> -> memref<1x!tpu.dma_semaphore, #tpu.memory_space<semaphore_mem>>
    %dma_start3A_266 = tpu.memref_squeeze %dma_start3A_265 : memref<1x!tpu.dma_semaphore, #tpu.memory_space<semaphore_mem>> -> memref<!tpu.dma_semaphore, #tpu.memory_space<semaphore_mem>>
    %dma_start3A_267 = arith.constant 0 : i32
    %dma_start3A_268 = tpu.memref_slice %arg3[%add3A_256, %dma_start3A_267] : memref<577x1024xf32, #tpu.memory_space<hbm>> -> memref<6x1024xf32, #tpu.memory_space<hbm>>
    %dma_start3A_269 = arith.constant 0 : i32
    %dma_start3A_270 = arith.constant 0 : i32
    %dma_start3A_271 = tpu.memref_slice %arg4[%dma_start3A_257, %dma_start3A_269, %dma_start3A_270] : memref<3x6x1024xf32, #tpu.memory_space<vmem>> -> memref<1x6x1024xf32, #tpu.memory_space<vmem>>
    %dma_start3A_272 = tpu.memref_squeeze %dma_start3A_271 : memref<1x6x1024xf32, #tpu.memory_space<vmem>> -> memref<6x1024xf32, #tpu.memory_space<vmem>>
    tpu.enqueue_dma source(%dma_start3A_272 : memref<6x1024xf32, #tpu.memory_space<vmem>>) target(%dma_start3A_268 : memref<6x1024xf32, #tpu.memory_space<hbm>>) target_semaphore(%dma_start3A_266 : memref<!tpu.dma_semaphore, #tpu.memory_space<semaphore_mem>>)
    %mul3A_273 = arith.constant 3 : i32
    %mul3A_274 = arith.muli %add3A, %mul3A_273 : i32
    %add3A_275 = arith.constant 2 : i32
    %add3A_276 = arith.addi %mul3A_274, %add3A_275 : i32
    %dma_wait3A_277 = arith.constant 2 : i32
    %dma_wait3A_278 = arith.constant 2 : i32
    %dma_wait3A_279 = arith.constant 0 : i32
    %dma_wait3A_280 = arith.constant 0 : i32
    %dma_wait3A_281 = tpu.memref_slice %arg4[%dma_wait3A_277, %dma_wait3A_279, %dma_wait3A_280] : memref<3x6x1024xf32, #tpu.memory_space<vmem>> -> memref<1x6x1024xf32, #tpu.memory_space<vmem>>
    %dma_wait3A_282 = tpu.memref_squeeze %dma_wait3A_281 : memref<1x6x1024xf32, #tpu.memory_space<vmem>> -> memref<6x1024xf32, #tpu.memory_space<vmem>>
    %dma_wait3A_283 = arith.constant 0 : i32
    %dma_wait3A_284 = tpu.memref_slice %arg2[%add3A_174, %dma_wait3A_283] : memref<1025x1024xf32, #tpu.memory_space<hbm>> -> memref<6x1024xf32, #tpu.memory_space<hbm>>
    %dma_wait3A_285 = tpu.memref_slice %arg6[%dma_wait3A_278] : memref<3x!tpu.dma_semaphore, #tpu.memory_space<semaphore_mem>> -> memref<1x!tpu.dma_semaphore, #tpu.memory_space<semaphore_mem>>
    %dma_wait3A_286 = tpu.memref_squeeze %dma_wait3A_285 : memref<1x!tpu.dma_semaphore, #tpu.memory_space<semaphore_mem>> -> memref<!tpu.dma_semaphore, #tpu.memory_space<semaphore_mem>>
    %dma_wait3A_287 = arith.constant 0 : i32
    %dma_wait3A_288 = arith.constant 0 : i32
    %dma_wait3A_289 = tpu.memref_slice %arg4[%dma_wait3A_277, %dma_wait3A_287, %dma_wait3A_288] : memref<3x6x1024xf32, #tpu.memory_space<vmem>> -> memref<1x6x1024xf32, #tpu.memory_space<vmem>>
    %dma_wait3A_290 = tpu.memref_squeeze %dma_wait3A_289 : memref<1x6x1024xf32, #tpu.memory_space<vmem>> -> memref<6x1024xf32, #tpu.memory_space<vmem>>
    %dma_wait3A_291 = arith.constant 0 : i32
    %dma_wait3A_292 = tpu.memref_slice %arg2[%add3A_174, %dma_wait3A_291] : memref<1025x1024xf32, #tpu.memory_space<hbm>> -> memref<6x1024xf32, #tpu.memory_space<hbm>>
    tpu.wait_dma2 semaphore(%dma_wait3A_286 : memref<!tpu.dma_semaphore, #tpu.memory_space<semaphore_mem>>) src(%dma_wait3A_292 : memref<6x1024xf32, #tpu.memory_space<hbm>>) dst(%dma_wait3A_290 : memref<6x1024xf32, #tpu.memory_space<vmem>>)
    %mul3A_293 = arith.constant 6 : i32
    %mul3A_294 = arith.muli %add3A_276, %mul3A_293 : i32
    %add3A_295 = arith.constant 1 : i32
    %add3A_296 = arith.addi %mul3A_294, %add3A_295 : i32
    %dma_start3A_297 = arith.constant 2 : i32
    %dma_start3A_298 = arith.constant 2 : i32
    %dma_start3A_299 = arith.constant 0 : i32
    %dma_start3A_300 = arith.constant 0 : i32
    %dma_start3A_301 = tpu.memref_slice %arg4[%dma_start3A_297, %dma_start3A_299, %dma_start3A_300] : memref<3x6x1024xf32, #tpu.memory_space<vmem>> -> memref<1x6x1024xf32, #tpu.memory_space<vmem>>
    %dma_start3A_302 = tpu.memref_squeeze %dma_start3A_301 : memref<1x6x1024xf32, #tpu.memory_space<vmem>> -> memref<6x1024xf32, #tpu.memory_space<vmem>>
    %dma_start3A_303 = arith.constant 0 : i32
    %dma_start3A_304 = tpu.memref_slice %arg3[%add3A_296, %dma_start3A_303] : memref<577x1024xf32, #tpu.memory_space<hbm>> -> memref<6x1024xf32, #tpu.memory_space<hbm>>
    %dma_start3A_305 = tpu.memref_slice %arg7[%dma_start3A_298] : memref<3x!tpu.dma_semaphore, #tpu.memory_space<semaphore_mem>> -> memref<1x!tpu.dma_semaphore, #tpu.memory_space<semaphore_mem>>
    %dma_start3A_306 = tpu.memref_squeeze %dma_start3A_305 : memref<1x!tpu.dma_semaphore, #tpu.memory_space<semaphore_mem>> -> memref<!tpu.dma_semaphore, #tpu.memory_space<semaphore_mem>>
    %dma_start3A_307 = arith.constant 0 : i32
    %dma_start3A_308 = tpu.memref_slice %arg3[%add3A_296, %dma_start3A_307] : memref<577x1024xf32, #tpu.memory_space<hbm>> -> memref<6x1024xf32, #tpu.memory_space<hbm>>
    %dma_start3A_309 = arith.constant 0 : i32
    %dma_start3A_310 = arith.constant 0 : i32
    %dma_start3A_311 = tpu.memref_slice %arg4[%dma_start3A_297, %dma_start3A_309, %dma_start3A_310] : memref<3x6x1024xf32, #tpu.memory_space<vmem>> -> memref<1x6x1024xf32, #tpu.memory_space<vmem>>
    %dma_start3A_312 = tpu.memref_squeeze %dma_start3A_311 : memref<1x6x1024xf32, #tpu.memory_space<vmem>> -> memref<6x1024xf32, #tpu.memory_space<vmem>>
    tpu.enqueue_dma source(%dma_start3A_312 : memref<6x1024xf32, #tpu.memory_space<vmem>>) target(%dma_start3A_308 : memref<6x1024xf32, #tpu.memory_space<hbm>>) target_semaphore(%dma_start3A_306 : memref<!tpu.dma_semaphore, #tpu.memory_space<semaphore_mem>>)
    %eq3A_313 = arith.constant 0 : i32
    %eq3A_314 = arith.cmpi eq, %add3A, %eq3A_313 : i32
    %convert_element_type3A_315 = arith.extui %eq3A_314 : i1 to i32
    %cond3A_316 = arith.constant 0 : i32
    %cond3A_317 = arith.cmpi ne, %convert_element_type3A_315, %cond3A_316 : i32
    scf.if %cond3A_317 {
      %dma_wait3A_366 = arith.constant 0 : i32
      %dma_wait3A_367 = arith.constant 0 : i32
      %dma_wait3A_368 = tpu.memref_slice %arg2[%dma_wait3A_366, %dma_wait3A_367] : memref<1025x1024xf32, #tpu.memory_space<hbm>> -> memref<1x1024xf32, #tpu.memory_space<hbm>>
      %dma_wait3A_369 = arith.constant 0 : i32
      %dma_wait3A_370 = arith.constant 0 : i32
      %dma_wait3A_371 = tpu.memref_slice %arg2[%dma_wait3A_369, %dma_wait3A_370] : memref<1025x1024xf32, #tpu.memory_space<hbm>> -> memref<1x1024xf32, #tpu.memory_space<hbm>>
      tpu.wait_dma2 semaphore(%arg8 : memref<!tpu.dma_semaphore, #tpu.memory_space<semaphore_mem>>) src(%dma_wait3A_371 : memref<1x1024xf32, #tpu.memory_space<hbm>>) dst(%arg5 : memref<1x1024xf32, #tpu.memory_space<vmem>>)
      "tpu.region"() ({
        %run_scoped3A = tpu.sem_alloc : memref<!tpu.dma_semaphore, #tpu.memory_space<semaphore_mem>>
        %dma_start3A_372 = arith.constant 0 : i32
        %dma_start3A_373 = arith.constant 0 : i32
        %dma_start3A_374 = tpu.memref_slice %arg3[%dma_start3A_372, %dma_start3A_373] : memref<577x1024xf32, #tpu.memory_space<hbm>> -> memref<1x1024xf32, #tpu.memory_space<hbm>>
        %dma_start3A_375 = arith.constant 0 : i32
        %dma_start3A_376 = arith.constant 0 : i32
        %dma_start3A_377 = tpu.memref_slice %arg3[%dma_start3A_375, %dma_start3A_376] : memref<577x1024xf32, #tpu.memory_space<hbm>> -> memref<1x1024xf32, #tpu.memory_space<hbm>>
        tpu.enqueue_dma source(%arg5 : memref<1x1024xf32, #tpu.memory_space<vmem>>) target(%dma_start3A_377 : memref<1x1024xf32, #tpu.memory_space<hbm>>) target_semaphore(%run_scoped3A : memref<!tpu.dma_semaphore, #tpu.memory_space<semaphore_mem>>)
        %dma_wait3A_378 = arith.constant 0 : i32
        %dma_wait3A_379 = arith.constant 0 : i32
        %dma_wait3A_380 = tpu.memref_slice %arg3[%dma_wait3A_378, %dma_wait3A_379] : memref<577x1024xf32, #tpu.memory_space<hbm>> -> memref<1x1024xf32, #tpu.memory_space<hbm>>
        %dma_wait3A_381 = arith.constant 0 : i32
        %dma_wait3A_382 = arith.constant 0 : i32
        %dma_wait3A_383 = tpu.memref_slice %arg3[%dma_wait3A_381, %dma_wait3A_382] : memref<577x1024xf32, #tpu.memory_space<hbm>> -> memref<1x1024xf32, #tpu.memory_space<hbm>>
        tpu.wait_dma2 semaphore(%run_scoped3A : memref<!tpu.dma_semaphore, #tpu.memory_space<semaphore_mem>>) src(%arg5 : memref<1x1024xf32, #tpu.memory_space<vmem>>) dst(%dma_wait3A_383 : memref<1x1024xf32, #tpu.memory_space<hbm>>)
        tpu.yield
      }) : () -> ()
    } else {
    }
    %dma_wait3A_318 = arith.constant 0 : i32
    %dma_wait3A_319 = arith.constant 0 : i32
    %dma_wait3A_320 = arith.constant 0 : i32
    %dma_wait3A_321 = arith.constant 0 : i32
    %dma_wait3A_322 = tpu.memref_slice %arg4[%dma_wait3A_318, %dma_wait3A_320, %dma_wait3A_321] : memref<3x6x1024xf32, #tpu.memory_space<vmem>> -> memref<1x6x1024xf32, #tpu.memory_space<vmem>>
    %dma_wait3A_323 = tpu.memref_squeeze %dma_wait3A_322 : memref<1x6x1024xf32, #tpu.memory_space<vmem>> -> memref<6x1024xf32, #tpu.memory_space<vmem>>
    %dma_wait3A_324 = arith.constant 0 : i32
    %dma_wait3A_325 = tpu.memref_slice %arg3[%add3A_216, %dma_wait3A_324] : memref<577x1024xf32, #tpu.memory_space<hbm>> -> memref<6x1024xf32, #tpu.memory_space<hbm>>
    %dma_wait3A_326 = tpu.memref_slice %arg7[%dma_wait3A_319] : memref<3x!tpu.dma_semaphore, #tpu.memory_space<semaphore_mem>> -> memref<1x!tpu.dma_semaphore, #tpu.memory_space<semaphore_mem>>
    %dma_wait3A_327 = tpu.memref_squeeze %dma_wait3A_326 : memref<1x!tpu.dma_semaphore, #tpu.memory_space<semaphore_mem>> -> memref<!tpu.dma_semaphore, #tpu.memory_space<semaphore_mem>>
    %dma_wait3A_328 = arith.constant 0 : i32
    %dma_wait3A_329 = tpu.memref_slice %arg3[%add3A_216, %dma_wait3A_328] : memref<577x1024xf32, #tpu.memory_space<hbm>> -> memref<6x1024xf32, #tpu.memory_space<hbm>>
    %dma_wait3A_330 = arith.constant 0 : i32
    %dma_wait3A_331 = arith.constant 0 : i32
    %dma_wait3A_332 = tpu.memref_slice %arg4[%dma_wait3A_318, %dma_wait3A_330, %dma_wait3A_331] : memref<3x6x1024xf32, #tpu.memory_space<vmem>> -> memref<1x6x1024xf32, #tpu.memory_space<vmem>>
    %dma_wait3A_333 = tpu.memref_squeeze %dma_wait3A_332 : memref<1x6x1024xf32, #tpu.memory_space<vmem>> -> memref<6x1024xf32, #tpu.memory_space<vmem>>
    tpu.wait_dma2 semaphore(%dma_wait3A_327 : memref<!tpu.dma_semaphore, #tpu.memory_space<semaphore_mem>>) src(%dma_wait3A_333 : memref<6x1024xf32, #tpu.memory_space<vmem>>) dst(%dma_wait3A_329 : memref<6x1024xf32, #tpu.memory_space<hbm>>)
    %dma_wait3A_334 = arith.constant 1 : i32
    %dma_wait3A_335 = arith.constant 1 : i32
    %dma_wait3A_336 = arith.constant 0 : i32
    %dma_wait3A_337 = arith.constant 0 : i32
    %dma_wait3A_338 = tpu.memref_slice %arg4[%dma_wait3A_334, %dma_wait3A_336, %dma_wait3A_337] : memref<3x6x1024xf32, #tpu.memory_space<vmem>> -> memref<1x6x1024xf32, #tpu.memory_space<vmem>>
    %dma_wait3A_339 = tpu.memref_squeeze %dma_wait3A_338 : memref<1x6x1024xf32, #tpu.memory_space<vmem>> -> memref<6x1024xf32, #tpu.memory_space<vmem>>
    %dma_wait3A_340 = arith.constant 0 : i32
    %dma_wait3A_341 = tpu.memref_slice %arg3[%add3A_256, %dma_wait3A_340] : memref<577x1024xf32, #tpu.memory_space<hbm>> -> memref<6x1024xf32, #tpu.memory_space<hbm>>
    %dma_wait3A_342 = tpu.memref_slice %arg7[%dma_wait3A_335] : memref<3x!tpu.dma_semaphore, #tpu.memory_space<semaphore_mem>> -> memref<1x!tpu.dma_semaphore, #tpu.memory_space<semaphore_mem>>
    %dma_wait3A_343 = tpu.memref_squeeze %dma_wait3A_342 : memref<1x!tpu.dma_semaphore, #tpu.memory_space<semaphore_mem>> -> memref<!tpu.dma_semaphore, #tpu.memory_space<semaphore_mem>>
    %dma_wait3A_344 = arith.constant 0 : i32
    %dma_wait3A_345 = tpu.memref_slice %arg3[%add3A_256, %dma_wait3A_344] : memref<577x1024xf32, #tpu.memory_space<hbm>> -> memref<6x1024xf32, #tpu.memory_space<hbm>>
    %dma_wait3A_346 = arith.constant 0 : i32
    %dma_wait3A_347 = arith.constant 0 : i32
    %dma_wait3A_348 = tpu.memref_slice %arg4[%dma_wait3A_334, %dma_wait3A_346, %dma_wait3A_347] : memref<3x6x1024xf32, #tpu.memory_space<vmem>> -> memref<1x6x1024xf32, #tpu.memory_space<vmem>>
    %dma_wait3A_349 = tpu.memref_squeeze %dma_wait3A_348 : memref<1x6x1024xf32, #tpu.memory_space<vmem>> -> memref<6x1024xf32, #tpu.memory_space<vmem>>
    tpu.wait_dma2 semaphore(%dma_wait3A_343 : memref<!tpu.dma_semaphore, #tpu.memory_space<semaphore_mem>>) src(%dma_wait3A_349 : memref<6x1024xf32, #tpu.memory_space<vmem>>) dst(%dma_wait3A_345 : memref<6x1024xf32, #tpu.memory_space<hbm>>)
    %dma_wait3A_350 = arith.constant 2 : i32
    %dma_wait3A_351 = arith.constant 2 : i32
    %dma_wait3A_352 = arith.constant 0 : i32
    %dma_wait3A_353 = arith.constant 0 : i32
    %dma_wait3A_354 = tpu.memref_slice %arg4[%dma_wait3A_350, %dma_wait3A_352, %dma_wait3A_353] : memref<3x6x1024xf32, #tpu.memory_space<vmem>> -> memref<1x6x1024xf32, #tpu.memory_space<vmem>>
    %dma_wait3A_355 = tpu.memref_squeeze %dma_wait3A_354 : memref<1x6x1024xf32, #tpu.memory_space<vmem>> -> memref<6x1024xf32, #tpu.memory_space<vmem>>
    %dma_wait3A_356 = arith.constant 0 : i32
    %dma_wait3A_357 = tpu.memref_slice %arg3[%add3A_296, %dma_wait3A_356] : memref<577x1024xf32, #tpu.memory_space<hbm>> -> memref<6x1024xf32, #tpu.memory_space<hbm>>
    %dma_wait3A_358 = tpu.memref_slice %arg7[%dma_wait3A_351] : memref<3x!tpu.dma_semaphore, #tpu.memory_space<semaphore_mem>> -> memref<1x!tpu.dma_semaphore, #tpu.memory_space<semaphore_mem>>
    %dma_wait3A_359 = tpu.memref_squeeze %dma_wait3A_358 : memref<1x!tpu.dma_semaphore, #tpu.memory_space<semaphore_mem>> -> memref<!tpu.dma_semaphore, #tpu.memory_space<semaphore_mem>>
    %dma_wait3A_360 = arith.constant 0 : i32
    %dma_wait3A_361 = tpu.memref_slice %arg3[%add3A_296, %dma_wait3A_360] : memref<577x1024xf32, #tpu.memory_space<hbm>> -> memref<6x1024xf32, #tpu.memory_space<hbm>>
    %dma_wait3A_362 = arith.constant 0 : i32
    %dma_wait3A_363 = arith.constant 0 : i32
    %dma_wait3A_364 = tpu.memref_slice %arg4[%dma_wait3A_350, %dma_wait3A_362, %dma_wait3A_363] : memref<3x6x1024xf32, #tpu.memory_space<vmem>> -> memref<1x6x1024xf32, #tpu.memory_space<vmem>>
    %dma_wait3A_365 = tpu.memref_squeeze %dma_wait3A_364 : memref<1x6x1024xf32, #tpu.memory_space<vmem>> -> memref<6x1024xf32, #tpu.memory_space<vmem>>
    tpu.wait_dma2 semaphore(%dma_wait3A_359 : memref<!tpu.dma_semaphore, #tpu.memory_space<semaphore_mem>>) src(%dma_wait3A_365 : memref<6x1024xf32, #tpu.memory_space<vmem>>) dst(%dma_wait3A_361 : memref<6x1024xf32, #tpu.memory_space<hbm>>)
    return
  }
}

</mosaic_0001>

<sc_bundles>
// kernel: kernel.3.cloned.1.call-start
scs
__scs_entry_jumppad:
0x0: {  	(pc) =	sbr.rel $0x88, $3  }
0x1: {  	(tag) =	ssettag $0x0;
	lr =	simm.s32 $0x1  }
0x2: {  	[smem:$0x3FA0] =	sst lr;
	_ =	strace $0xD0000000  }
0x3: {  	_ = 	snop  }
0x4: {  	_ = 	snop  }
0x5: {  	_ = 	snop  }
0x6: {  	_ = 	snop  }
0x7: {  	_ = 	snop  }
__scs_overlays_trampoline_lowered:
0x8: {  	[smem:$0x3FAF] =	sst s0  }
0x9: {  	[smem:$0x3FB0] =	sst s1  }
0xa: {  	[smem:$0x3FB1] =	sst s2  }
0xb: {  	[smem:$0x3FB2] =	sst s3  }
0xc: {  	[smem:$0x3FB3] =	sst s4  }
0xd: {  	[smem:$0x3FB4] =	sst s5  }
0xe: {  	[smem:$0x3FB5] =	sst s6  }
0xf: {  	[smem:$0x3FB6] =	sst s7  }
0x10: {  	[smem:$0x3FB7] =	sst s8  }
0x11: {  	[smem:$0x3FB8] =	sst s9;
	s0 =	simm.s32 @!p0 $0x0  }
0x12: {  	s1 =	sld [smem:$0x3F9E];
	s0 =	simm.s32 @p0 $0x1  }
0x13: {  	[smem:$0x3FB9] =	sst s0;
	s0 =	simm.s32 @!p1 $0x0  }
0x14: {  	s2 =	sld [smem:$0x3F9D];
	s0 =	simm.s32 @p1 $0x1  }
0x15: {  	[smem:$0x3FBA] =	sst s0;
	s0 =	simm.s32 @!p2 $0x0  }
0x16: {  	s3 =	sld [smem:$0x3FDB];
	s0 =	simm.s32 @p2 $0x1  }
0x17: {  	s4 =	simm.s32 $0x1BF5;
	[smem:$0x3FBC] =	sst s0  }
0x18: {  	s0 =	sld [smem:$0x3F9F];
	_ =	swait.ge [sflag:s4], $0x0  }
0x19: {  	s7 =	sld [smem:$0x3FA0]  }
0x1a: {  	s8 =	sadd.s32 $0xFFFFE003, lr  }
0x1b: {  	s9 =	sadd.s32 $0xFFFFFEF7, lr;
	s5 =	simm.s32 $0xFFFFFFFF;
	p2 =	slt.u32 s8, $0xFFFFF086  }
0x1c: {  	p1 =	slt.u32 s9, $0xF7A;
	s5 =	simm.s32 @!p2 $0x0  }
0x1d: {  	s5 =	simm.s32 @p1 $0x1;
	p0 =	seq.s32 s7, s2  }
0x1e: {  	s7 =	smul.u32 @!p0 $0xF7A, s2;
	p2 =	seq.s32 @!p0 s5, $0x0  }
0x1f: {  	s9 =	smul.u32 $0xF7A, s1;
	s8 =	simm.s32 @!p0 $0x1BF5;
	p2 =	por !p2, p0  }
0x20: {  	[sflag:s8] =	ssyncset.s32 @!p0 $0xFFFFF086;
	s6 =	sadd.s32 @!p0 s3, s7;
	s7 =	simm.s32 @!p0 $0x108  }
0x21: {  	s3 =	sadd.s32 s3, s9;
	s6 =	sadd.s32 @!p0 $0x88, s6;
	s7 =	simm.s32 @p2 $0x1082  }
0x22: {  	[simem:s7], [sflag:s8] =	dma.local @!p0 [hbm:s6], $0xF7A  }
0x23: {  	s9 =	sor.u32 $0xD0000000, s2;
	s6 =	simm.s32 $0x108;
	_ =	swait.ge @!p0 [sflag:s8], $0x0  }
0x24: {  	s3 =	sadd.s32 $0x88, s3;
	s6 =	simm.s32 @!p1 $0x1082;
	[sflag:s4] =	ssyncset.s32 $0xFFFFF086  }
0x25: {  	[simem:s6], [sflag:s4] =	dma.local [hbm:s3], $0xF7A  }
0x26: {  	[smem:$0x3FA0] =	sst s1;
	(tag) =	ssettag s2;
	_ =	strace s9  }
0x27: {  	s1 =	sld [smem:$0x3FB0]  }
0x28: {  	s2 =	sld [smem:$0x3FB1]  }
0x29: {  	s4 =	sld [smem:$0x3FB3]  }
0x2a: {  	p0 =	seq.s32 s5, $0x0;
	s5 =	sld [smem:$0x3FB4]  }
0x2b: {  	s6 =	sld [smem:$0x3FB5]  }
0x2c: {  	s7 =	sld [smem:$0x3FB6]  }
0x2d: {  	s3 =	simm.s32 $0x108;
	s8 =	sld [smem:$0x3FB7]  }
0x2e: {  	s3 =	simm.s32 @!p0 $0x1082;
	s9 =	sld [smem:$0x3FB8]  }
0x2f: {  	lr =	sadd.s32 s0, s3;
	s0 =	sld [smem:$0x3FAF]  }
0x30: {  	s3 =	sld [smem:$0x3FB2]  }
0x31: {  	[smem:$0x3FBB] =	sst s10  }
0x32: {  	s10 =	sld [smem:$0x3FB9];
	_ =	sdelay $0x3  }
0x33: {  	p0 =	seq.s32 s10, $0x1;
	s10 =	sld [smem:$0x3FBB];
	_ =	sdelay $0x3  }
0x34: {  	[smem:$0x3FBB] =	sst s10  }
0x35: {  	s10 =	sld [smem:$0x3FBA];
	_ =	sdelay $0x3  }
0x36: {  	p1 =	seq.s32 s10, $0x1;
	s10 =	sld [smem:$0x3FBB];
	_ =	sdelay $0x3  }
0x37: {  	[smem:$0x3FBB] =	sst s10  }
0x38: {  	s10 =	sld [smem:$0x3FBC]  }
0x39: {  	_ = 	snop;
	(pc) =	sbr.ind lr, $3  }
0x3a: {  	_ = 	snop  }
0x3b: {  	_ = 	snop  }
0x3c: {  	p2 =	seq.s32 s10, $0x1;
	s10 =	sld [smem:$0x3FBB]  }
0x3d: {  	_ =	shalt  }
0x3e: {  	_ =	shalt  }
0x3f: {  	_ =	shalt  }
0x40: {  	_ =	shalt  }
0x41: {  	_ =	shalt  }
0x42: {  	_ =	shalt  }
0x43: {  	_ =	shalt  }
0x44: {  	_ =	shalt  }
0x45: {  	_ =	shalt  }
0x46: {  	_ =	shalt  }
0x47: {  	_ =	shalt  }
0x48: {  	_ =	shalt  }
0x49: {  	_ =	shalt  }
0x4a: {  	_ =	shalt  }
0x4b: {  	_ =	shalt  }
0x4c: {  	_ =	shalt  }
0x4d: {  	_ =	shalt  }
0x4e: {  	_ =	shalt  }
0x4f: {  	_ =	shalt  }
0x50: {  	_ =	shalt  }
0x51: {  	_ =	shalt  }
0x52: {  	_ =	shalt  }
0x53: {  	_ =	shalt  }
0x54: {  	_ =	shalt  }
0x55: {  	_ =	shalt  }
0x56: {  	_ =	shalt  }
0x57: {  	_ =	shalt  }
0x58: {  	_ =	shalt  }
0x59: {  	_ =	shalt  }
0x5a: {  	_ =	shalt  }
0x5b: {  	_ =	shalt  }
0x5c: {  	_ =	shalt  }
0x5d: {  	_ =	shalt  }
0x5e: {  	_ =	shalt  }
0x5f: {  	_ =	shalt  }
0x60: {  	_ =	shalt  }
0x61: {  	_ =	shalt  }
0x62: {  	_ =	shalt  }
0x63: {  	_ =	shalt  }
0x64: {  	_ =	shalt  }
0x65: {  	_ =	shalt  }
0x66: {  	_ =	shalt  }
0x67: {  	_ =	shalt  }
0x68: {  	_ =	shalt  }
0x69: {  	_ =	shalt  }
0x6a: {  	_ =	shalt  }
0x6b: {  	_ =	shalt  }
0x6c: {  	_ =	shalt  }
0x6d: {  	_ =	shalt  }
0x6e: {  	_ =	shalt  }
0x6f: {  	_ =	shalt  }
0x70: {  	_ =	shalt  }
0x71: {  	_ =	shalt  }
0x72: {  	_ =	shalt  }
0x73: {  	_ =	shalt  }
0x74: {  	_ =	shalt  }
0x75: {  	_ =	shalt  }
0x76: {  	_ =	shalt  }
0x77: {  	_ =	shalt  }
0x78: {  	_ =	shalt  }
0x79: {  	_ =	shalt  }
0x7a: {  	_ =	shalt  }
0x7b: {  	_ =	shalt  }
0x7c: {  	_ =	shalt  }
0x7d: {  	_ =	shalt  }
0x7e: {  	_ =	shalt  }
0x7f: {  	_ =	shalt  }
0x80: {  	_ =	shalt  }
0x81: {  	_ =	shalt  }
0x82: {  	_ =	shalt  }
0x83: {  	_ =	shalt  }
0x84: {  	_ =	shalt  }
0x85: {  	_ =	shalt  }
0x86: {  	_ =	shalt  }
0x87: {  	_ =	shalt  }
.Lfunc_end0:
.L_simem_size_0:
called_computation_lowered:
.L_overlay_start_0:
0x88: {  	s2 =	sld [smem:$0x3FD9]  }
0x89: {  	s3 =	sld [smem:$0x3FFE];
	_ =	sdelay $0x1  }
0x8a: {  	s1 =	srdreg.scid  }
0x8b: {  	s0 =	sand.u32 $0x1, s1  }
0x8c: {  	s16 =	sshll.u32 s0, $0xA;
	s2 =	sadd.s32 s3, s2  }
0x8d: {  	s2 =	sadd.s32 s2, s16  }
0x8e: {  	[smem:$0x3FC7] =	sst s2  }
0x8f: {  	_ = 	snop  }
0x90: {  	(tm) =	ssettm $0x1  }
0x91: {  	s17 =	sld [smem:$0x3FFB];
	_ =	sdelay $0x3  }
0x92: {  	_ =	strace s17  }
0x93: {  	s2 =	sld [smem:$0x3FFC];
	_ =	sdelay $0x3  }
0x94: {  	_ =	strace s2  }
0x95: {  	s2 =	sld [smem:$0x3FFD];
	_ =	sdelay $0x3  }
0x96: {  	_ =	strace s2  }
0x97: {  	_ =	strace $0x8FFFFFFF  }
0x98: {  	s18 =	sld [smem:$0x3FDB];
	_ =	sdelay $0x1  }
0x99: {  	s19 =	simm.s32 $_scs_section_size  }
0x9a: {  	s4 =	simm.s32 $_size__tile_overlayer_lowered;
	s5 =	simm.s32 $_tile_overlayer_lowered  }
0x9b: {  	s22 =	simm.s32 $0x1BFF;
	s21 =	sshll.u32 s5, $0x1;
	s2 =	sadd.s32 s19, s18  }
0x9c: {  	s6 =	simm.s32 $0x0;
	s20 =	sshll.u32 s4, $0x1;
	s4 =	sadd.s32 s21, s2  }
0x9d: {  	[timem:s6], [sflag:s22] =	dma.local [hbm:s4], s20  }
0x9e: {  	_ =	swait.ge [sflag:s22], s20  }
0x9f: {  	s3 =	ssub.s32 $0x0, s20;
	[sflag:s22] =	ssyncset.done $0x0  }
0xa0: {  	[sflag:s22] =	ssyncadd.s32 s3;
	_ =	sdelay $0x1  }
0xa1: {  	s23 =	simm.s32 $0x1B8B  }
0xa2: {  	_ =	swait.ge [sflag:s23], $0x1  }
0xa3: {  	[sflag:s23] =	ssyncset.done $0x0  }
0xa4: {  	s25 =	simm.s32 $0x1B8E;
	s24 =	sld [smem:$0x3FFE];
	[sflag:s23] =	ssyncadd.s32 $0xFFFFFFFF  }
0xa5: {  	s26 =	simm.s32 $execute0_lowered;
	[smem:$0x3FD2] =	sst s25  }
0xa6: {  	s4 =	sshll.u32 s26, $0x1;
	_ =	strace $0x80000046;
	[dreg:$0x1] =	wrdreg $0xFFFFFFFF  }
0xa7: {  	s28 =	simm.s32 $_size_execute0_lowered;
	s2 =	sadd.s32 s2, s4;
	[dreg:$0x0] =	wrdreg $0x0  }
0xa8: {  	s4 =	sshll.u32 s28, $0x1;
	[dreg:$0x2] =	wrdreg s2  }
0xa9: {  	[dreg:$0x3] =	wrdreg s4  }
0xaa: {  	[dreg:$0x4] =	wrdreg $0xC0  }
0xab: {  	_ =	task [dreg:s6], $0x5FFFF  }
0xac: {  	[dreg:$0x1] =	wrdreg $0xFFFFFFFF  }
0xad: {  	[dreg:$0x0] =	wrdreg $0x60  }
0xae: {  	[dreg:$0x2] =	wrdreg s24  }
0xaf: {  	[dreg:$0x3] =	wrdreg $0x9  }
0xb0: {  	_ =	task.clear_ibuf [dreg:s6], $0x4FFFF;
	_ =	strace $0x90000046  }
0xb1: {  	s29 =	simm.s32 $0x9;
	_ =	strace $0x80000048  }
0xb2: {  	_ =	swait.ge [sflag:s29], $0x1  }
0xb3: {  	[sflag:s29] =	ssyncadd.s32 $0xFFFFFFFF  }
0xb4: {  	_ =	strace $0x90000048  }
0xb5: {  	_ =	sfence  }
0xb6: {  	s30 =	sld [smem:$0x0];
	_ =	sdelay $0x2  }
0xb7: {  	s31 =	sshll.u32 s1, $0xD;
	s1 =	sshrl.u32 s1, $0x2  }
0xb8: {  	s3 =	sand.u32 $0x4000, s31;
	s1 =	sadd.s32 s1, s30  }
0xb9: {  	s0 =	sor.u32 s3, s0;
	s1 =	sshll.u32 s1, $0x11  }
0xba: {  	s0 =	sor.u32 s1, s0  }
0xbb: {  	s0 =	sadd.s32 $0x8F2B, s0  }
0xbc: {  	[sflag:s0] =	ssyncadd.remote.s32 $0x1  }
0xbd: {  	_ =	sfence.sel $0xFFFF  }
0xbe: {  	[dreg:$0x0] =	wrdreg $0xFFFFFFFF;
	(pc) =	sbr.abs _section_cstart, $3  }
0xbf: {  	[dreg:$0x1] =	wrdreg $0xFFFFFFFF  }
0xc0: {  	_ =	task.clear_ibuf [dreg:s6], $0x2FFFF;
	_ =	strace $0x9FFFFFFF  }
0xc1: {  	(tm) =	ssettm $0x7FFFFFFF  }
tec
execute0_lowered:
.L_overlay_start_1:
0x0: {  	(tag) =	ssettag $0x1  }
0x1: {  	s1 =	srdreg.scid;
	s0 =	stileid.u32  }
0x2: {  	s21 =	sand.u32 $0x1, s1;
	s26 =	sshll.u32 s0, $0x1  }
0x3: {  	s18 =	rddreg [dreg:$0x0];
	s12 =	sor.u32 s21, s26  }
0x4: {  	s2 =	simm.s32 $0x0;
	s1 =	rddreg [dreg:$0x1];
	s4 =	smul.u32 $0x3, s12  }
0x5: {  	[smem:$0x7FF] =	sst s2;
	s9 =	sadd.s32 $0x480, s18;
	s3 =	smul.u32 $0x6000, s12  }
0x6: {  	_ =	strace $0x80000047;
	p0 =	sne.s32 s12, $0x0;
	s5 =	sand.u32 $0x3, s4  }
0x7: {  	s6 =	sand.u32 $0xF8000, s3;
	s14 =	sadd.s32 $0x1, s4;
	s5 =	smul.u32 $0x1800, s5  }
0x8: {  	s4 =	sadd.s32 $0x2, s4;
	s28 =	sand.u32 $0x3, s14;
	s7 =	sshll.u32 s14, $0xD  }
0x9: {  	s8 =	sand.u32 $0x3, s4;
	s5 =	sor.u32 s6, s5;
	s6 =	smul.u32 $0x1800, s28  }
0xa: {  	s4 =	sshll.u32 s4, $0xD;
	s7 =	sand.u32 $0x1F8000, s7;
	s8 =	smul.u32 $0x1800, s8  }
0xb: {  	s29 =	sand.u32 $0x1F8000, s4;
	s5 =	sshrl.u32 s5, $0x3;
	s6 =	sor.u32 s6, s7  }
0xc: {  	s31 =	sor.u32 s8, s29;
	s4 =	sadd.s32 s5, s9;
	s30 =	sshrl.u32 s6, $0x3  }
0xd: {  	[tilespmem:s2], [sflag:$0x1] =	stream.linear.gather [hbm4b:s4+s2], $0x1800, $0x38;
	[tilespmem:$0x4C00] =	vst v63  }
0xe: {  	s7 =	sshrl.u32 s31, $0x3;
	s6 =	simm.s32 $0x1800;
	s5 =	sadd.s32 s30, s9  }
0xf: {  	[tilespmem:s6], [sflag:$0x2] =	stream.linear.gather [hbm4b:s5+s2], $0x1800, $0x38;
	[tilespmem:$0x4C00] =	vst v63  }
0x10: {  	s10 =	simm.s32 @!p0 $0x0;
	s8 =	simm.s32 $0x3000;
	s7 =	sadd.s32 s7, s9  }
0x11: {  	[tilespmem:s8], [sflag:$0x3] =	stream.linear.gather [hbm4b:s7+s2], $0x1800, $0x38;
	[tilespmem:$0x4C00] =	vst v63  }
0x12: {  	s11 =	simm.s32 @!p0 $0x4800;
	s3 =	sadd.s32 $0x400, s18;
	s9 =	simm.s32 $0x1  }
0x13: {  	[tilespmem:s11], [sflag:$0x7] =	stream.linear.gather @!p0 [hbm4b:s3+s10], $0x400, $0x38;
	[tilespmem:$0x4C00] =	vst v63  }
0x14: {  	s12 =	smul.u32 $0x900, s12;
	_ =	swait.ge [sflag:s9], $0x1800  }
0x15: {  	s15 =	sadd.s32 $0x20680, s18;
	[sflag:s9] =	ssyncset.done $0x0  }
0x16: {  	s13 =	simm.s32 $0x2;
	s12 =	sadd.s32 s12, s15;
	[sflag:s9] =	ssyncadd.s32 $0xFFFFE800  }
0x17: {  	[hbm4b:s12+s2] =	stream.linear.scatter [tilespmem:s2], [sflag:$0x4], $0x1800, $0x38;
	[tilespmem:$0x4C00] =	vst v63  }
0x18: {  	s14 =	smul.u32 $0x300, s14;
	_ =	swait.ge [sflag:s13], $0x1800  }
0x19: {  	[sflag:s13] =	ssyncset.done $0x0  }
0x1a: {  	s14 =	sadd.s32 s14, s15;
	s15 =	simm.s32 $0x3;
	[sflag:s13] =	ssyncadd.s32 $0xFFFFE800  }
0x1b: {  	[hbm4b:s14+s2] =	stream.linear.scatter [tilespmem:s6], [sflag:$0x5], $0x1800, $0x38;
	[tilespmem:$0x4C00] =	vst v63  }
0x1c: {  	_ =	swait.ge [sflag:s15], $0x1800  }
0x1d: {  	[sflag:s15] =	ssyncset.done $0x0  }
0x1e: {  	s17 =	simm.s32 @!p0 $0x7;
	s16 =	sadd.s32 $0x600, s12;
	[sflag:s15] =	ssyncadd.s32 $0xFFFFE800  }
0x1f: {  	[hbm4b:s16+s2] =	stream.linear.scatter [tilespmem:s8], [sflag:$0x6], $0x1800, $0x38;
	[tilespmem:$0x4C00] =	vst v63  }
0x20: {  	_ =	swait.ge @!p0 [sflag:s17], $0x400  }
0x21: {  	[sflag:s17] =	ssyncset.done @!p0 $0x0  }
0x22: {  	s19 =	simm.s32 @!p0 $0x8;
	s18 =	sadd.s32 $0x20600, s18;
	[sflag:s17] =	ssyncadd.s32 @!p0 $0xFFFFFC00  }
0x23: {  	[hbm4b:s18+s10] =	stream.linear.scatter @!p0 [tilespmem:s11], [sflag:$0x8], $0x400, $0x38;
	[tilespmem:$0x4C00] =	vst v63  }
0x24: {  	s22 =	ssub.s32 $0x2, s21;
	_ =	swait.ge @!p0 [sflag:s19], $0x400  }
0x25: {  	s23 =	sshrl.u32 s22, $0x1;
	[sflag:s19] =	ssyncset.done @!p0 $0x0  }
0x26: {  	s20 =	simm.s32 $0x4;
	s22 =	ssub.s32 s22, s23;
	[sflag:s19] =	ssyncadd.s32 @!p0 $0xFFFFFC00  }
0x27: {  	s23 =	smax.u32 s22, $0x1;
	_ =	swait.ge [sflag:s20], $0x1800  }
0x28: {  	s23 =	sadd.s32 $0xFFFFFFFF, s23;
	[sflag:s20] =	ssyncset.done $0x0  }
0x29: {  	s21 =	simm.s32 $0x5;
	p1 =	sne.s32 s23, $0x0;
	[sflag:s20] =	ssyncadd.s32 $0xFFFFE800  }
.Ltmp0:
0x2a: {  	_ =	swait.ge [sflag:s21], $0x1800;
	(pc) =	sbr.rel @!p1 .LBB2_2-.Ltmp0, $4  }
0x2b: {  	[sflag:s21] =	ssyncset.done $0x0  }
0x2c: {  	s22 =	simm.s32 $0x6;
	[sflag:s21] =	ssyncadd.s32 $0xFFFFE800  }
0x2d: {  	_ =	swait.ge [sflag:s22], $0x1800  }
0x2e: {  	[sflag:s22] =	ssyncset.done $0x0  }
.LBB2_1:
0x2f: {  	s23 =	sadd.s32 $0xFFFFFFFF, s23;
	[sflag:s22] =	ssyncadd.s32 $0xFFFFE800  }
0x30: {  	[tilespmem:s2], [sflag:$0x1] =	stream.linear.gather [hbm4b:s4+s2], $0x1800, $0x38;
	[tilespmem:$0x4C00] =	vst v63  }
0x31: {  	p1 =	sne.s32 s23, $0x0  }
0x32: {  	[tilespmem:s6], [sflag:$0x2] =	stream.linear.gather [hbm4b:s5+s2], $0x1800, $0x38;
	[tilespmem:$0x4C00] =	vst v63  }
0x33: {  	_ = 	snop  }
0x34: {  	[tilespmem:s8], [sflag:$0x3] =	stream.linear.gather [hbm4b:s7+s2], $0x1800, $0x38;
	[tilespmem:$0x4C00] =	vst v63  }
0x35: {  	_ = 	snop  }
0x36: {  	[tilespmem:s11], [sflag:$0x7] =	stream.linear.gather @!p0 [hbm4b:s3+s10], $0x400, $0x38;
	[tilespmem:$0x4C00] =	vst v63  }
0x37: {  	_ =	swait.ge [sflag:s9], $0x1800  }
0x38: {  	[sflag:s9] =	ssyncset.done $0x0  }
0x39: {  	[sflag:s9] =	ssyncadd.s32 $0xFFFFE800  }
0x3a: {  	[hbm4b:s12+s2] =	stream.linear.scatter [tilespmem:s2], [sflag:$0x4], $0x1800, $0x38;
	[tilespmem:$0x4C00] =	vst v63  }
0x3b: {  	_ =	swait.ge [sflag:s13], $0x1800  }
0x3c: {  	[sflag:s13] =	ssyncset.done $0x0  }
0x3d: {  	[sflag:s13] =	ssyncadd.s32 $0xFFFFE800  }
0x3e: {  	[hbm4b:s14+s2] =	stream.linear.scatter [tilespmem:s6], [sflag:$0x5], $0x1800, $0x38;
	[tilespmem:$0x4C00] =	vst v63  }
0x3f: {  	_ =	swait.ge [sflag:s15], $0x1800  }
0x40: {  	[sflag:s15] =	ssyncset.done $0x0  }
0x41: {  	[sflag:s15] =	ssyncadd.s32 $0xFFFFE800  }
0x42: {  	[hbm4b:s16+s2] =	stream.linear.scatter [tilespmem:s8], [sflag:$0x6], $0x1800, $0x38;
	[tilespmem:$0x4C00] =	vst v63  }
0x43: {  	_ =	swait.ge @!p0 [sflag:s17], $0x400  }
0x44: {  	[sflag:s17] =	ssyncset.done @!p0 $0x0  }
0x45: {  	[sflag:s17] =	ssyncadd.s32 @!p0 $0xFFFFFC00  }
0x46: {  	[hbm4b:s18+s10] =	stream.linear.scatter @!p0 [tilespmem:s11], [sflag:$0x8], $0x400, $0x38;
	[tilespmem:$0x4C00] =	vst v63  }
0x47: {  	_ =	swait.ge @!p0 [sflag:s19], $0x400  }
0x48: {  	[sflag:s19] =	ssyncset.done @!p0 $0x0  }
0x49: {  	[sflag:s19] =	ssyncadd.s32 @!p0 $0xFFFFFC00  }
0x4a: {  	_ =	swait.ge [sflag:s20], $0x1800  }
0x4b: {  	[sflag:s20] =	ssyncset.done $0x0  }
0x4c: {  	[sflag:s20] =	ssyncadd.s32 $0xFFFFE800  }
.Ltmp1:
0x4d: {  	_ =	swait.ge [sflag:s21], $0x1800;
	(pc) =	sbr.rel @p1 .LBB2_1-.Ltmp1, $4  }
0x4e: {  	[sflag:s21] =	ssyncset.done $0x0  }
0x4f: {  	[sflag:s21] =	ssyncadd.s32 $0xFFFFE800  }
0x50: {  	_ =	swait.ge [sflag:s22], $0x1800  }
0x51: {  	[sflag:s22] =	ssyncset.done $0x0  }
.LBB2_2:
0x52: {  	[sflag:s22] =	ssyncadd.s32 $0xFFFFE800  }
0x53: {  	_ =	sfence.sel $0x180000  }
0x54: {  	[bflag:$0x0] =	sbarrier.arrive $0xFFFF  }
0x55: {  	p0 =	sne.s32 s0, $0x0;
	_ =	strace $0x90000047  }
0x56: {  	s0 =	sadd.s32 @!p0 $0x100000, s1;
	[bflag:$0x2] =	sbarrier.arrive $0xFFFF  }
0x57: {  	[sflag:s0] =	ssyncadd.tile.s32 @!p0 $0x1;
	_ =	shalt  }
.Lfunc_end2:
_tile_overlayer_lowered:
.L_overlay_start_2:
0x58: {  	(tag) =	ssettag $0x2  }
0x59: {  	s0 =	rddreg [dreg:$0x0];
	s2 =	stileid.u32  }
0x5a: {  	s1 =	rddreg [dreg:$0x1];
	p0 =	sne.s32 s2, $0x0  }
0x5b: {  	s3 =	rddreg [dreg:$0x2];
	[bflag:$0x3] =	sbarrier.arrive $0xFFFF;
	s2 =	simm.s32 @!p0 $0x1C08  }
0x5c: {  	[timem:s3], [sflag:s2] =	dma.local @!p0 [hbm:s0], s1  }
0x5d: {  	s0 =	simm.s32 @!p0 $0x8  }
0x5e: {  	_ =	swait.ge @!p0 [sflag:s0], s1  }
0x5f: {  	s1 =	ssub.s32 @!p0 $0x0, s1;
	[sflag:s0] =	ssyncset.done @!p0 $0x0  }
0x60: {  	[sflag:s0] =	ssyncadd.s32 @!p0 s1  }
0x61: {  	[bflag:$0x3] =	sbarrier.arrive $0xFFFF  }
0x62: {  	_ =	shalt  }

</sc_bundles>
